<compile_context>
chip_gen: v7x
topology: tpu7x:2x2x1
jax: 0.10.2.dev20260603
libtpu: 0.0.44.dev20260713+nightly
codegen_flags: <defaults>
</compile_context>

<pallas_src>
import functools

import jax
import jax.numpy as jnp
from jax import lax
from jax.experimental import pallas as pl
from jax.experimental.pallas import tpu as pltpu
from jax.experimental.pallas import tpu_sc as plsc

_D = 128
_B = 5000
_NC = 2
_NS = 16
_NW = _NC * _NS
_ROWS = 160
_CHUNK = 40
_CHUNKS = tuple((j * _CHUNK, _CHUNK) for j in range(_ROWS // _CHUNK))
_NCHUNK = len(_CHUNKS)
_LAST_BASE = _B - _ROWS

_mesh = plsc.VectorSubcoreMesh(core_axis_name="c", subcore_axis_name="s")


@functools.partial(
    pl.kernel,
    mesh=_mesh,
    out_type=jax.ShapeDtypeStruct((_B, _D), jnp.float32),
    scratch_types=[
        pltpu.VMEM((_ROWS,), jnp.int32),
        pltpu.VMEM((_ROWS, _D), jnp.float32),
    ]
    + [pltpu.SemaphoreType.DMA] * (2 * _NCHUNK)
    + [pltpu.SemaphoreType.DMA],
)
def _gather_rows(idx_hbm, x_hbm, out_hbm, idx_v, rows_v, *sems):
    idx_sems = sems[:_NCHUNK]
    gather_sems = sems[_NCHUNK:2 * _NCHUNK]
    out_sem = sems[2 * _NCHUNK]
    wid = lax.axis_index("s") * _NC + lax.axis_index("c")
    base = pl.multiple_of(lax.min(wid * _ROWS, _LAST_BASE), 8)
    idx_copies = [
        pltpu.async_copy(
            idx_hbm.at[pl.ds(base + off, size)],
            idx_v.at[pl.ds(off, size)],
            idx_sems[j],
        )
        for j, (off, size) in enumerate(_CHUNKS)
    ]
    gathers = []
    for j, (off, size) in enumerate(_CHUNKS):
        idx_copies[j].wait()
        gathers.append(
            pltpu.async_copy(
                x_hbm.at[idx_v.at[pl.ds(off, size)]],
                rows_v.at[pl.ds(off, size)],
                gather_sems[j],
            )
        )
    outs = []
    for j, (off, size) in enumerate(_CHUNKS):
        gathers[j].wait()
        outs.append(
            pltpu.async_copy(
                rows_v.at[pl.ds(off, size)],
                out_hbm.at[pl.ds(base + off, size)],
                out_sem,
            )
        )
    for cp in outs:
        cp.wait()


def kernel(node_indices, x, edge_index, edge_type, edge_attr):
    del edge_index, edge_type, edge_attr
    return _gather_rows(node_indices, x)

# --- scband reference (transcript-rebuilt; emitter-appended) ---
"""Pipeline reference for scband-model-20418274525655 (READ-ONLY COPY).

The authoritative reference and input builder live on the scoring server;
editing this copy changes nothing except your own understanding.
"""

import jax, jax.numpy as jnp
import numpy as np

N_NODES = 10000
N_EDGES = 320000
D_FEAT = 128
D_EDGE = 16
SUBSET = 5000


def setup_inputs(seed: int = 0) -> dict:
    key = jax.random.key(seed)
    k1, k2, k3, k4, k5 = jax.random.split(key, 5)
    x = jax.random.normal(k1, (N_NODES, D_FEAT), dtype=jnp.float32)
    edge_index = jax.random.randint(k2, (2, N_EDGES), 0, N_NODES, dtype=jnp.int32)
    edge_type = jax.random.randint(k3, (N_EDGES,), 0, 8, dtype=jnp.int32)
    edge_attr = jax.random.normal(k4, (N_EDGES, D_EDGE), dtype=jnp.float32)
    node_indices = jax.random.randint(k5, (SUBSET,), 0, N_NODES, dtype=jnp.int32)
    return {
        "node_indices": node_indices,
        "x": x,
        "edge_index": edge_index,
        "edge_type": edge_type,
        "edge_attr": edge_attr,
    }


def _subgraph(node_indices, edge_index, num_nodes):
    # torch_geometric.utils.subgraph with relabel_nodes=True, return_edge_mask=True
    node_mask = jnp.zeros((num_nodes,), dtype=bool).at[node_indices].set(True)
    edge_mask = node_mask[edge_index[0]] & node_mask[edge_index[1]]
    mapping = jnp.zeros((num_nodes,), dtype=jnp.int32).at[node_indices].set(
        jnp.arange(node_indices.shape[0], dtype=jnp.int32)
    )
    ei = jnp.where(edge_mask[None, :], mapping[edge_index], 0)
    return ei, edge_mask


def reference(node_indices, x, edge_index, edge_type, edge_attr):
    # y_pred = x[node_indices]  (gather)
    y_pred = jnp.take(x, node_indices, axis=0)
    # subgraph extraction (faithful to the original forward; with transforms=[]
    # the loop body never executes, so these are computed then unused)
    ei, mask = _subgraph(node_indices, edge_index, x.shape[0])
    et = jnp.where(mask, edge_type, 0)
    ea = jnp.where(mask[:, None], edge_attr, 0.0)
    # for transform in self.transforms: (empty -> no-op)
    return y_pred

if __name__ == "__main__":
    import jax
    _d = setup_inputs()
    print(jax.jit(kernel)(*tuple(_d.values())))

</pallas_src>

<mosaic_0001>
#map = affine_map<(d0, d1) -> (0)>
#map1 = affine_map<(d0, d1) -> (0, 0)>
module attributes {stable_mosaic.version = 14 : i64} {
  func.func @_gather_rows(%arg0: i32, %arg1: i32, %arg2: memref<5000xi32, #tpu.memory_space<hbm>>, %arg3: memref<10000x128xf32, #tpu.memory_space<hbm>>, %arg4: memref<5000x128xf32, #tpu.memory_space<hbm>>, %arg5: memref<160xi32, #tpu.memory_space<vmem>>, %arg6: memref<160x128xf32, #tpu.memory_space<vmem>>, %arg7: memref<!tpu.dma_semaphore, #tpu.memory_space<semaphore_mem>>, %arg8: memref<!tpu.dma_semaphore, #tpu.memory_space<semaphore_mem>>, %arg9: memref<!tpu.dma_semaphore, #tpu.memory_space<semaphore_mem>>, %arg10: memref<!tpu.dma_semaphore, #tpu.memory_space<semaphore_mem>>, %arg11: memref<!tpu.dma_semaphore, #tpu.memory_space<semaphore_mem>>, %arg12: memref<!tpu.dma_semaphore, #tpu.memory_space<semaphore_mem>>, %arg13: memref<!tpu.dma_semaphore, #tpu.memory_space<semaphore_mem>>, %arg14: memref<!tpu.dma_semaphore, #tpu.memory_space<semaphore_mem>>, %arg15: memref<!tpu.dma_semaphore, #tpu.memory_space<semaphore_mem>>) attributes {dimension_semantics = [#tpu.dimension_semantics<core_parallel>, #tpu.dimension_semantics<subcore_parallel>], iteration_bounds = array<i64: 2, 16>, scalar_prefetch = 0 : i64, scratch_operands = 11 : i64, tpu.core_type = #tpu.core_type<sc_vector_subcore>, window_params = [{transform_indices = #map}, {transform_indices = #map1}, {transform_indices = #map1}]} {
    %mul3A = arith.constant 2 : i32
    %mul3A_0 = arith.muli %arg1, %mul3A : i32
    %add3A = arith.addi %mul3A_0, %arg0 : i32
    %mul3A_1 = arith.constant 160 : i32
    %mul3A_2 = arith.muli %add3A, %mul3A_1 : i32
    %min3A = arith.constant 4840 : i32
    %min3A_3 = arith.minsi %mul3A_2, %min3A : i32
    %multiple_of3A = tpu.assume_multiple %min3A_3, 8 : i32
    %add3A_4 = arith.constant 0 : i32
    %add3A_5 = arith.addi %multiple_of3A, %add3A_4 : i32
    %dma_start3A = arith.constant 0 : i32
    %dma_start3A_6 = tpu.memref_slice %arg5[%dma_start3A] : memref<160xi32, #tpu.memory_space<vmem>> -> memref<40xi32, #tpu.memory_space<vmem>>
    %dma_start3A_7 = tpu.memref_slice %arg2[%add3A_5] : memref<5000xi32, #tpu.memory_space<hbm>> -> memref<40xi32, #tpu.memory_space<hbm>>
    %dma_start3A_8 = arith.constant 0 : i32
    %dma_start3A_9 = tpu.memref_slice %arg5[%dma_start3A_8] : memref<160xi32, #tpu.memory_space<vmem>> -> memref<40xi32, #tpu.memory_space<vmem>>
    %dma_start3A_10 = tpu.memref_slice %arg2[%add3A_5] : memref<5000xi32, #tpu.memory_space<hbm>> -> memref<40xi32, #tpu.memory_space<hbm>>
    tpu.enqueue_dma source(%dma_start3A_10 : memref<40xi32, #tpu.memory_space<hbm>>) target(%dma_start3A_9 : memref<40xi32, #tpu.memory_space<vmem>>) target_semaphore(%arg7 : memref<!tpu.dma_semaphore, #tpu.memory_space<semaphore_mem>>)
    %add3A_11 = arith.constant 40 : i32
    %add3A_12 = arith.addi %multiple_of3A, %add3A_11 : i32
    %dma_start3A_13 = arith.constant 40 : i32
    %dma_start3A_14 = tpu.memref_slice %arg5[%dma_start3A_13] : memref<160xi32, #tpu.memory_space<vmem>> -> memref<40xi32, #tpu.memory_space<vmem>>
    %dma_start3A_15 = tpu.memref_slice %arg2[%add3A_12] : memref<5000xi32, #tpu.memory_space<hbm>> -> memref<40xi32, #tpu.memory_space<hbm>>
    %dma_start3A_16 = arith.constant 40 : i32
    %dma_start3A_17 = tpu.memref_slice %arg5[%dma_start3A_16] : memref<160xi32, #tpu.memory_space<vmem>> -> memref<40xi32, #tpu.memory_space<vmem>>
    %dma_start3A_18 = tpu.memref_slice %arg2[%add3A_12] : memref<5000xi32, #tpu.memory_space<hbm>> -> memref<40xi32, #tpu.memory_space<hbm>>
    tpu.enqueue_dma source(%dma_start3A_18 : memref<40xi32, #tpu.memory_space<hbm>>) target(%dma_start3A_17 : memref<40xi32, #tpu.memory_space<vmem>>) target_semaphore(%arg8 : memref<!tpu.dma_semaphore, #tpu.memory_space<semaphore_mem>>)
    %add3A_19 = arith.constant 80 : i32
    %add3A_20 = arith.addi %multiple_of3A, %add3A_19 : i32
    %dma_start3A_21 = arith.constant 80 : i32
    %dma_start3A_22 = tpu.memref_slice %arg5[%dma_start3A_21] : memref<160xi32, #tpu.memory_space<vmem>> -> memref<40xi32, #tpu.memory_space<vmem>>
    %dma_start3A_23 = tpu.memref_slice %arg2[%add3A_20] : memref<5000xi32, #tpu.memory_space<hbm>> -> memref<40xi32, #tpu.memory_space<hbm>>
    %dma_start3A_24 = arith.constant 80 : i32
    %dma_start3A_25 = tpu.memref_slice %arg5[%dma_start3A_24] : memref<160xi32, #tpu.memory_space<vmem>> -> memref<40xi32, #tpu.memory_space<vmem>>
    %dma_start3A_26 = tpu.memref_slice %arg2[%add3A_20] : memref<5000xi32, #tpu.memory_space<hbm>> -> memref<40xi32, #tpu.memory_space<hbm>>
    tpu.enqueue_dma source(%dma_start3A_26 : memref<40xi32, #tpu.memory_space<hbm>>) target(%dma_start3A_25 : memref<40xi32, #tpu.memory_space<vmem>>) target_semaphore(%arg9 : memref<!tpu.dma_semaphore, #tpu.memory_space<semaphore_mem>>)
    %add3A_27 = arith.constant 120 : i32
    %add3A_28 = arith.addi %multiple_of3A, %add3A_27 : i32
    %dma_start3A_29 = arith.constant 120 : i32
    %dma_start3A_30 = tpu.memref_slice %arg5[%dma_start3A_29] : memref<160xi32, #tpu.memory_space<vmem>> -> memref<40xi32, #tpu.memory_space<vmem>>
    %dma_start3A_31 = tpu.memref_slice %arg2[%add3A_28] : memref<5000xi32, #tpu.memory_space<hbm>> -> memref<40xi32, #tpu.memory_space<hbm>>
    %dma_start3A_32 = arith.constant 120 : i32
    %dma_start3A_33 = tpu.memref_slice %arg5[%dma_start3A_32] : memref<160xi32, #tpu.memory_space<vmem>> -> memref<40xi32, #tpu.memory_space<vmem>>
    %dma_start3A_34 = tpu.memref_slice %arg2[%add3A_28] : memref<5000xi32, #tpu.memory_space<hbm>> -> memref<40xi32, #tpu.memory_space<hbm>>
    tpu.enqueue_dma source(%dma_start3A_34 : memref<40xi32, #tpu.memory_space<hbm>>) target(%dma_start3A_33 : memref<40xi32, #tpu.memory_space<vmem>>) target_semaphore(%arg10 : memref<!tpu.dma_semaphore, #tpu.memory_space<semaphore_mem>>)
    %dma_wait3A = arith.constant 0 : i32
    %dma_wait3A_35 = tpu.memref_slice %arg5[%dma_wait3A] : memref<160xi32, #tpu.memory_space<vmem>> -> memref<40xi32, #tpu.memory_space<vmem>>
    %dma_wait3A_36 = tpu.memref_slice %arg2[%add3A_5] : memref<5000xi32, #tpu.memory_space<hbm>> -> memref<40xi32, #tpu.memory_space<hbm>>
    %dma_wait3A_37 = arith.constant 0 : i32
    %dma_wait3A_38 = tpu.memref_slice %arg5[%dma_wait3A_37] : memref<160xi32, #tpu.memory_space<vmem>> -> memref<40xi32, #tpu.memory_space<vmem>>
    %dma_wait3A_39 = tpu.memref_slice %arg2[%add3A_5] : memref<5000xi32, #tpu.memory_space<hbm>> -> memref<40xi32, #tpu.memory_space<hbm>>
    tpu.wait_dma2 semaphore(%arg7 : memref<!tpu.dma_semaphore, #tpu.memory_space<semaphore_mem>>) src(%dma_wait3A_39 : memref<40xi32, #tpu.memory_space<hbm>>) dst(%dma_wait3A_38 : memref<40xi32, #tpu.memory_space<vmem>>)
    %dma_start3A_40 = arith.constant 0 : i32
    %dma_start3A_41 = arith.constant 0 : i32
    %dma_start3A_42 = tpu.memref_slice %arg6[%dma_start3A_40, %dma_start3A_41] : memref<160x128xf32, #tpu.memory_space<vmem>> -> memref<40x128xf32, #tpu.memory_space<vmem>>
    %dma_start3A_43 = arith.constant 0 : i32
    %dma_start3A_44 = tpu.memref_slice %arg5[%dma_start3A_43] : memref<160xi32, #tpu.memory_space<vmem>> -> memref<40xi32, #tpu.memory_space<vmem>>
    %dma_start3A_45 = arith.constant 0 : i32
    %dma_start3A_46 = arith.constant 0 : i32
    %dma_start3A_47 = tpu.memref_slice %arg3[%dma_start3A_45, %dma_start3A_46] : memref<10000x128xf32, #tpu.memory_space<hbm>> -> memref<10000x128xf32, #tpu.memory_space<hbm>>
    tpu.enqueue_indirect_dma source(%dma_start3A_47 : memref<10000x128xf32, #tpu.memory_space<hbm>>) target(%dma_start3A_42 : memref<40x128xf32, #tpu.memory_space<vmem>>) offsets(%dma_start3A_44 : memref<40xi32, #tpu.memory_space<vmem>>) semaphore(%arg11 : memref<!tpu.dma_semaphore, #tpu.memory_space<semaphore_mem>>)
    %dma_wait3A_48 = arith.constant 40 : i32
    %dma_wait3A_49 = tpu.memref_slice %arg5[%dma_wait3A_48] : memref<160xi32, #tpu.memory_space<vmem>> -> memref<40xi32, #tpu.memory_space<vmem>>
    %dma_wait3A_50 = tpu.memref_slice %arg2[%add3A_12] : memref<5000xi32, #tpu.memory_space<hbm>> -> memref<40xi32, #tpu.memory_space<hbm>>
    %dma_wait3A_51 = arith.constant 40 : i32
    %dma_wait3A_52 = tpu.memref_slice %arg5[%dma_wait3A_51] : memref<160xi32, #tpu.memory_space<vmem>> -> memref<40xi32, #tpu.memory_space<vmem>>
    %dma_wait3A_53 = tpu.memref_slice %arg2[%add3A_12] : memref<5000xi32, #tpu.memory_space<hbm>> -> memref<40xi32, #tpu.memory_space<hbm>>
    tpu.wait_dma2 semaphore(%arg8 : memref<!tpu.dma_semaphore, #tpu.memory_space<semaphore_mem>>) src(%dma_wait3A_53 : memref<40xi32, #tpu.memory_space<hbm>>) dst(%dma_wait3A_52 : memref<40xi32, #tpu.memory_space<vmem>>)
    %dma_start3A_54 = arith.constant 40 : i32
    %dma_start3A_55 = arith.constant 0 : i32
    %dma_start3A_56 = tpu.memref_slice %arg6[%dma_start3A_54, %dma_start3A_55] : memref<160x128xf32, #tpu.memory_space<vmem>> -> memref<40x128xf32, #tpu.memory_space<vmem>>
    %dma_start3A_57 = arith.constant 40 : i32
    %dma_start3A_58 = tpu.memref_slice %arg5[%dma_start3A_57] : memref<160xi32, #tpu.memory_space<vmem>> -> memref<40xi32, #tpu.memory_space<vmem>>
    %dma_start3A_59 = arith.constant 0 : i32
    %dma_start3A_60 = arith.constant 0 : i32
    %dma_start3A_61 = tpu.memref_slice %arg3[%dma_start3A_59, %dma_start3A_60] : memref<10000x128xf32, #tpu.memory_space<hbm>> -> memref<10000x128xf32, #tpu.memory_space<hbm>>
    tpu.enqueue_indirect_dma source(%dma_start3A_61 : memref<10000x128xf32, #tpu.memory_space<hbm>>) target(%dma_start3A_56 : memref<40x128xf32, #tpu.memory_space<vmem>>) offsets(%dma_start3A_58 : memref<40xi32, #tpu.memory_space<vmem>>) semaphore(%arg12 : memref<!tpu.dma_semaphore, #tpu.memory_space<semaphore_mem>>)
    %dma_wait3A_62 = arith.constant 80 : i32
    %dma_wait3A_63 = tpu.memref_slice %arg5[%dma_wait3A_62] : memref<160xi32, #tpu.memory_space<vmem>> -> memref<40xi32, #tpu.memory_space<vmem>>
    %dma_wait3A_64 = tpu.memref_slice %arg2[%add3A_20] : memref<5000xi32, #tpu.memory_space<hbm>> -> memref<40xi32, #tpu.memory_space<hbm>>
    %dma_wait3A_65 = arith.constant 80 : i32
    %dma_wait3A_66 = tpu.memref_slice %arg5[%dma_wait3A_65] : memref<160xi32, #tpu.memory_space<vmem>> -> memref<40xi32, #tpu.memory_space<vmem>>
    %dma_wait3A_67 = tpu.memref_slice %arg2[%add3A_20] : memref<5000xi32, #tpu.memory_space<hbm>> -> memref<40xi32, #tpu.memory_space<hbm>>
    tpu.wait_dma2 semaphore(%arg9 : memref<!tpu.dma_semaphore, #tpu.memory_space<semaphore_mem>>) src(%dma_wait3A_67 : memref<40xi32, #tpu.memory_space<hbm>>) dst(%dma_wait3A_66 : memref<40xi32, #tpu.memory_space<vmem>>)
    %dma_start3A_68 = arith.constant 80 : i32
    %dma_start3A_69 = arith.constant 0 : i32
    %dma_start3A_70 = tpu.memref_slice %arg6[%dma_start3A_68, %dma_start3A_69] : memref<160x128xf32, #tpu.memory_space<vmem>> -> memref<40x128xf32, #tpu.memory_space<vmem>>
    %dma_start3A_71 = arith.constant 80 : i32
    %dma_start3A_72 = tpu.memref_slice %arg5[%dma_start3A_71] : memref<160xi32, #tpu.memory_space<vmem>> -> memref<40xi32, #tpu.memory_space<vmem>>
    %dma_start3A_73 = arith.constant 0 : i32
    %dma_start3A_74 = arith.constant 0 : i32
    %dma_start3A_75 = tpu.memref_slice %arg3[%dma_start3A_73, %dma_start3A_74] : memref<10000x128xf32, #tpu.memory_space<hbm>> -> memref<10000x128xf32, #tpu.memory_space<hbm>>
    tpu.enqueue_indirect_dma source(%dma_start3A_75 : memref<10000x128xf32, #tpu.memory_space<hbm>>) target(%dma_start3A_70 : memref<40x128xf32, #tpu.memory_space<vmem>>) offsets(%dma_start3A_72 : memref<40xi32, #tpu.memory_space<vmem>>) semaphore(%arg13 : memref<!tpu.dma_semaphore, #tpu.memory_space<semaphore_mem>>)
    %dma_wait3A_76 = arith.constant 120 : i32
    %dma_wait3A_77 = tpu.memref_slice %arg5[%dma_wait3A_76] : memref<160xi32, #tpu.memory_space<vmem>> -> memref<40xi32, #tpu.memory_space<vmem>>
    %dma_wait3A_78 = tpu.memref_slice %arg2[%add3A_28] : memref<5000xi32, #tpu.memory_space<hbm>> -> memref<40xi32, #tpu.memory_space<hbm>>
    %dma_wait3A_79 = arith.constant 120 : i32
    %dma_wait3A_80 = tpu.memref_slice %arg5[%dma_wait3A_79] : memref<160xi32, #tpu.memory_space<vmem>> -> memref<40xi32, #tpu.memory_space<vmem>>
    %dma_wait3A_81 = tpu.memref_slice %arg2[%add3A_28] : memref<5000xi32, #tpu.memory_space<hbm>> -> memref<40xi32, #tpu.memory_space<hbm>>
    tpu.wait_dma2 semaphore(%arg10 : memref<!tpu.dma_semaphore, #tpu.memory_space<semaphore_mem>>) src(%dma_wait3A_81 : memref<40xi32, #tpu.memory_space<hbm>>) dst(%dma_wait3A_80 : memref<40xi32, #tpu.memory_space<vmem>>)
    %dma_start3A_82 = arith.constant 120 : i32
    %dma_start3A_83 = arith.constant 0 : i32
    %dma_start3A_84 = tpu.memref_slice %arg6[%dma_start3A_82, %dma_start3A_83] : memref<160x128xf32, #tpu.memory_space<vmem>> -> memref<40x128xf32, #tpu.memory_space<vmem>>
    %dma_start3A_85 = arith.constant 120 : i32
    %dma_start3A_86 = tpu.memref_slice %arg5[%dma_start3A_85] : memref<160xi32, #tpu.memory_space<vmem>> -> memref<40xi32, #tpu.memory_space<vmem>>
    %dma_start3A_87 = arith.constant 0 : i32
    %dma_start3A_88 = arith.constant 0 : i32
    %dma_start3A_89 = tpu.memref_slice %arg3[%dma_start3A_87, %dma_start3A_88] : memref<10000x128xf32, #tpu.memory_space<hbm>> -> memref<10000x128xf32, #tpu.memory_space<hbm>>
    tpu.enqueue_indirect_dma source(%dma_start3A_89 : memref<10000x128xf32, #tpu.memory_space<hbm>>) target(%dma_start3A_84 : memref<40x128xf32, #tpu.memory_space<vmem>>) offsets(%dma_start3A_86 : memref<40xi32, #tpu.memory_space<vmem>>) semaphore(%arg14 : memref<!tpu.dma_semaphore, #tpu.memory_space<semaphore_mem>>)
    %dma_wait3A_90 = arith.constant 0 : i32
    %dma_wait3A_91 = arith.constant 0 : i32
    %dma_wait3A_92 = tpu.memref_slice %arg6[%dma_wait3A_90, %dma_wait3A_91] : memref<160x128xf32, #tpu.memory_space<vmem>> -> memref<40x128xf32, #tpu.memory_space<vmem>>
    %dma_wait3A_93 = arith.constant 0 : i32
    %dma_wait3A_94 = tpu.memref_slice %arg5[%dma_wait3A_93] : memref<160xi32, #tpu.memory_space<vmem>> -> memref<40xi32, #tpu.memory_space<vmem>>
    %dma_wait3A_95 = arith.constant 0 : i32
    %dma_wait3A_96 = arith.constant 0 : i32
    %dma_wait3A_97 = tpu.memref_slice %arg3[%dma_wait3A_95, %dma_wait3A_96] : memref<10000x128xf32, #tpu.memory_space<hbm>> -> memref<10000x128xf32, #tpu.memory_space<hbm>>
    tpu.wait_indirect_dma semaphore(%arg11 : memref<!tpu.dma_semaphore, #tpu.memory_space<semaphore_mem>>) src(%dma_wait3A_97 : memref<10000x128xf32, #tpu.memory_space<hbm>>) dst(%dma_wait3A_92 : memref<40x128xf32, #tpu.memory_space<vmem>>)
    %add3A_98 = arith.constant 0 : i32
    %add3A_99 = arith.addi %multiple_of3A, %add3A_98 : i32
    %dma_start3A_100 = arith.constant 0 : i32
    %dma_start3A_101 = arith.constant 0 : i32
    %dma_start3A_102 = tpu.memref_slice %arg6[%dma_start3A_100, %dma_start3A_101] : memref<160x128xf32, #tpu.memory_space<vmem>> -> memref<40x128xf32, #tpu.memory_space<vmem>>
    %dma_start3A_103 = arith.constant 0 : i32
    %dma_start3A_104 = tpu.memref_slice %arg4[%add3A_99, %dma_start3A_103] : memref<5000x128xf32, #tpu.memory_space<hbm>> -> memref<40x128xf32, #tpu.memory_space<hbm>>
    %dma_start3A_105 = arith.constant 0 : i32
    %dma_start3A_106 = tpu.memref_slice %arg4[%add3A_99, %dma_start3A_105] : memref<5000x128xf32, #tpu.memory_space<hbm>> -> memref<40x128xf32, #tpu.memory_space<hbm>>
    %dma_start3A_107 = arith.constant 0 : i32
    %dma_start3A_108 = arith.constant 0 : i32
    %dma_start3A_109 = tpu.memref_slice %arg6[%dma_start3A_107, %dma_start3A_108] : memref<160x128xf32, #tpu.memory_space<vmem>> -> memref<40x128xf32, #tpu.memory_space<vmem>>
    tpu.enqueue_dma source(%dma_start3A_109 : memref<40x128xf32, #tpu.memory_space<vmem>>) target(%dma_start3A_106 : memref<40x128xf32, #tpu.memory_space<hbm>>) target_semaphore(%arg15 : memref<!tpu.dma_semaphore, #tpu.memory_space<semaphore_mem>>)
    %dma_wait3A_110 = arith.constant 40 : i32
    %dma_wait3A_111 = arith.constant 0 : i32
    %dma_wait3A_112 = tpu.memref_slice %arg6[%dma_wait3A_110, %dma_wait3A_111] : memref<160x128xf32, #tpu.memory_space<vmem>> -> memref<40x128xf32, #tpu.memory_space<vmem>>
    %dma_wait3A_113 = arith.constant 40 : i32
    %dma_wait3A_114 = tpu.memref_slice %arg5[%dma_wait3A_113] : memref<160xi32, #tpu.memory_space<vmem>> -> memref<40xi32, #tpu.memory_space<vmem>>
    %dma_wait3A_115 = arith.constant 0 : i32
    %dma_wait3A_116 = arith.constant 0 : i32
    %dma_wait3A_117 = tpu.memref_slice %arg3[%dma_wait3A_115, %dma_wait3A_116] : memref<10000x128xf32, #tpu.memory_space<hbm>> -> memref<10000x128xf32, #tpu.memory_space<hbm>>
    tpu.wait_indirect_dma semaphore(%arg12 : memref<!tpu.dma_semaphore, #tpu.memory_space<semaphore_mem>>) src(%dma_wait3A_117 : memref<10000x128xf32, #tpu.memory_space<hbm>>) dst(%dma_wait3A_112 : memref<40x128xf32, #tpu.memory_space<vmem>>)
    %add3A_118 = arith.constant 40 : i32
    %add3A_119 = arith.addi %multiple_of3A, %add3A_118 : i32
    %dma_start3A_120 = arith.constant 40 : i32
    %dma_start3A_121 = arith.constant 0 : i32
    %dma_start3A_122 = tpu.memref_slice %arg6[%dma_start3A_120, %dma_start3A_121] : memref<160x128xf32, #tpu.memory_space<vmem>> -> memref<40x128xf32, #tpu.memory_space<vmem>>
    %dma_start3A_123 = arith.constant 0 : i32
    %dma_start3A_124 = tpu.memref_slice %arg4[%add3A_119, %dma_start3A_123] : memref<5000x128xf32, #tpu.memory_space<hbm>> -> memref<40x128xf32, #tpu.memory_space<hbm>>
    %dma_start3A_125 = arith.constant 0 : i32
    %dma_start3A_126 = tpu.memref_slice %arg4[%add3A_119, %dma_start3A_125] : memref<5000x128xf32, #tpu.memory_space<hbm>> -> memref<40x128xf32, #tpu.memory_space<hbm>>
    %dma_start3A_127 = arith.constant 40 : i32
    %dma_start3A_128 = arith.constant 0 : i32
    %dma_start3A_129 = tpu.memref_slice %arg6[%dma_start3A_127, %dma_start3A_128] : memref<160x128xf32, #tpu.memory_space<vmem>> -> memref<40x128xf32, #tpu.memory_space<vmem>>
    tpu.enqueue_dma source(%dma_start3A_129 : memref<40x128xf32, #tpu.memory_space<vmem>>) target(%dma_start3A_126 : memref<40x128xf32, #tpu.memory_space<hbm>>) target_semaphore(%arg15 : memref<!tpu.dma_semaphore, #tpu.memory_space<semaphore_mem>>)
    %dma_wait3A_130 = arith.constant 80 : i32
    %dma_wait3A_131 = arith.constant 0 : i32
    %dma_wait3A_132 = tpu.memref_slice %arg6[%dma_wait3A_130, %dma_wait3A_131] : memref<160x128xf32, #tpu.memory_space<vmem>> -> memref<40x128xf32, #tpu.memory_space<vmem>>
    %dma_wait3A_133 = arith.constant 80 : i32
    %dma_wait3A_134 = tpu.memref_slice %arg5[%dma_wait3A_133] : memref<160xi32, #tpu.memory_space<vmem>> -> memref<40xi32, #tpu.memory_space<vmem>>
    %dma_wait3A_135 = arith.constant 0 : i32
    %dma_wait3A_136 = arith.constant 0 : i32
    %dma_wait3A_137 = tpu.memref_slice %arg3[%dma_wait3A_135, %dma_wait3A_136] : memref<10000x128xf32, #tpu.memory_space<hbm>> -> memref<10000x128xf32, #tpu.memory_space<hbm>>
    tpu.wait_indirect_dma semaphore(%arg13 : memref<!tpu.dma_semaphore, #tpu.memory_space<semaphore_mem>>) src(%dma_wait3A_137 : memref<10000x128xf32, #tpu.memory_space<hbm>>) dst(%dma_wait3A_132 : memref<40x128xf32, #tpu.memory_space<vmem>>)
    %add3A_138 = arith.constant 80 : i32
    %add3A_139 = arith.addi %multiple_of3A, %add3A_138 : i32
    %dma_start3A_140 = arith.constant 80 : i32
    %dma_start3A_141 = arith.constant 0 : i32
    %dma_start3A_142 = tpu.memref_slice %arg6[%dma_start3A_140, %dma_start3A_141] : memref<160x128xf32, #tpu.memory_space<vmem>> -> memref<40x128xf32, #tpu.memory_space<vmem>>
    %dma_start3A_143 = arith.constant 0 : i32
    %dma_start3A_144 = tpu.memref_slice %arg4[%add3A_139, %dma_start3A_143] : memref<5000x128xf32, #tpu.memory_space<hbm>> -> memref<40x128xf32, #tpu.memory_space<hbm>>
    %dma_start3A_145 = arith.constant 0 : i32
    %dma_start3A_146 = tpu.memref_slice %arg4[%add3A_139, %dma_start3A_145] : memref<5000x128xf32, #tpu.memory_space<hbm>> -> memref<40x128xf32, #tpu.memory_space<hbm>>
    %dma_start3A_147 = arith.constant 80 : i32
    %dma_start3A_148 = arith.constant 0 : i32
    %dma_start3A_149 = tpu.memref_slice %arg6[%dma_start3A_147, %dma_start3A_148] : memref<160x128xf32, #tpu.memory_space<vmem>> -> memref<40x128xf32, #tpu.memory_space<vmem>>
    tpu.enqueue_dma source(%dma_start3A_149 : memref<40x128xf32, #tpu.memory_space<vmem>>) target(%dma_start3A_146 : memref<40x128xf32, #tpu.memory_space<hbm>>) target_semaphore(%arg15 : memref<!tpu.dma_semaphore, #tpu.memory_space<semaphore_mem>>)
    %dma_wait3A_150 = arith.constant 120 : i32
    %dma_wait3A_151 = arith.constant 0 : i32
    %dma_wait3A_152 = tpu.memref_slice %arg6[%dma_wait3A_150, %dma_wait3A_151] : memref<160x128xf32, #tpu.memory_space<vmem>> -> memref<40x128xf32, #tpu.memory_space<vmem>>
    %dma_wait3A_153 = arith.constant 120 : i32
    %dma_wait3A_154 = tpu.memref_slice %arg5[%dma_wait3A_153] : memref<160xi32, #tpu.memory_space<vmem>> -> memref<40xi32, #tpu.memory_space<vmem>>
    %dma_wait3A_155 = arith.constant 0 : i32
    %dma_wait3A_156 = arith.constant 0 : i32
    %dma_wait3A_157 = tpu.memref_slice %arg3[%dma_wait3A_155, %dma_wait3A_156] : memref<10000x128xf32, #tpu.memory_space<hbm>> -> memref<10000x128xf32, #tpu.memory_space<hbm>>
    tpu.wait_indirect_dma semaphore(%arg14 : memref<!tpu.dma_semaphore, #tpu.memory_space<semaphore_mem>>) src(%dma_wait3A_157 : memref<10000x128xf32, #tpu.memory_space<hbm>>) dst(%dma_wait3A_152 : memref<40x128xf32, #tpu.memory_space<vmem>>)
    %add3A_158 = arith.constant 120 : i32
    %add3A_159 = arith.addi %multiple_of3A, %add3A_158 : i32
    %dma_start3A_160 = arith.constant 120 : i32
    %dma_start3A_161 = arith.constant 0 : i32
    %dma_start3A_162 = tpu.memref_slice %arg6[%dma_start3A_160, %dma_start3A_161] : memref<160x128xf32, #tpu.memory_space<vmem>> -> memref<40x128xf32, #tpu.memory_space<vmem>>
    %dma_start3A_163 = arith.constant 0 : i32
    %dma_start3A_164 = tpu.memref_slice %arg4[%add3A_159, %dma_start3A_163] : memref<5000x128xf32, #tpu.memory_space<hbm>> -> memref<40x128xf32, #tpu.memory_space<hbm>>
    %dma_start3A_165 = arith.constant 0 : i32
    %dma_start3A_166 = tpu.memref_slice %arg4[%add3A_159, %dma_start3A_165] : memref<5000x128xf32, #tpu.memory_space<hbm>> -> memref<40x128xf32, #tpu.memory_space<hbm>>
    %dma_start3A_167 = arith.constant 120 : i32
    %dma_start3A_168 = arith.constant 0 : i32
    %dma_start3A_169 = tpu.memref_slice %arg6[%dma_start3A_167, %dma_start3A_168] : memref<160x128xf32, #tpu.memory_space<vmem>> -> memref<40x128xf32, #tpu.memory_space<vmem>>
    tpu.enqueue_dma source(%dma_start3A_169 : memref<40x128xf32, #tpu.memory_space<vmem>>) target(%dma_start3A_166 : memref<40x128xf32, #tpu.memory_space<hbm>>) target_semaphore(%arg15 : memref<!tpu.dma_semaphore, #tpu.memory_space<semaphore_mem>>)
    %dma_wait3A_170 = arith.constant 0 : i32
    %dma_wait3A_171 = arith.constant 0 : i32
    %dma_wait3A_172 = tpu.memref_slice %arg6[%dma_wait3A_170, %dma_wait3A_171] : memref<160x128xf32, #tpu.memory_space<vmem>> -> memref<40x128xf32, #tpu.memory_space<vmem>>
    %dma_wait3A_173 = arith.constant 0 : i32
    %dma_wait3A_174 = tpu.memref_slice %arg4[%add3A_99, %dma_wait3A_173] : memref<5000x128xf32, #tpu.memory_space<hbm>> -> memref<40x128xf32, #tpu.memory_space<hbm>>
    %dma_wait3A_175 = arith.constant 0 : i32
    %dma_wait3A_176 = tpu.memref_slice %arg4[%add3A_99, %dma_wait3A_175] : memref<5000x128xf32, #tpu.memory_space<hbm>> -> memref<40x128xf32, #tpu.memory_space<hbm>>
    %dma_wait3A_177 = arith.constant 0 : i32
    %dma_wait3A_178 = arith.constant 0 : i32
    %dma_wait3A_179 = tpu.memref_slice %arg6[%dma_wait3A_177, %dma_wait3A_178] : memref<160x128xf32, #tpu.memory_space<vmem>> -> memref<40x128xf32, #tpu.memory_space<vmem>>
    tpu.wait_dma2 semaphore(%arg15 : memref<!tpu.dma_semaphore, #tpu.memory_space<semaphore_mem>>) src(%dma_wait3A_179 : memref<40x128xf32, #tpu.memory_space<vmem>>) dst(%dma_wait3A_176 : memref<40x128xf32, #tpu.memory_space<hbm>>)
    %dma_wait3A_180 = arith.constant 40 : i32
    %dma_wait3A_181 = arith.constant 0 : i32
    %dma_wait3A_182 = tpu.memref_slice %arg6[%dma_wait3A_180, %dma_wait3A_181] : memref<160x128xf32, #tpu.memory_space<vmem>> -> memref<40x128xf32, #tpu.memory_space<vmem>>
    %dma_wait3A_183 = arith.constant 0 : i32
    %dma_wait3A_184 = tpu.memref_slice %arg4[%add3A_119, %dma_wait3A_183] : memref<5000x128xf32, #tpu.memory_space<hbm>> -> memref<40x128xf32, #tpu.memory_space<hbm>>
    %dma_wait3A_185 = arith.constant 0 : i32
    %dma_wait3A_186 = tpu.memref_slice %arg4[%add3A_119, %dma_wait3A_185] : memref<5000x128xf32, #tpu.memory_space<hbm>> -> memref<40x128xf32, #tpu.memory_space<hbm>>
    %dma_wait3A_187 = arith.constant 40 : i32
    %dma_wait3A_188 = arith.constant 0 : i32
    %dma_wait3A_189 = tpu.memref_slice %arg6[%dma_wait3A_187, %dma_wait3A_188] : memref<160x128xf32, #tpu.memory_space<vmem>> -> memref<40x128xf32, #tpu.memory_space<vmem>>
    tpu.wait_dma2 semaphore(%arg15 : memref<!tpu.dma_semaphore, #tpu.memory_space<semaphore_mem>>) src(%dma_wait3A_189 : memref<40x128xf32, #tpu.memory_space<vmem>>) dst(%dma_wait3A_186 : memref<40x128xf32, #tpu.memory_space<hbm>>)
    %dma_wait3A_190 = arith.constant 80 : i32
    %dma_wait3A_191 = arith.constant 0 : i32
    %dma_wait3A_192 = tpu.memref_slice %arg6[%dma_wait3A_190, %dma_wait3A_191] : memref<160x128xf32, #tpu.memory_space<vmem>> -> memref<40x128xf32, #tpu.memory_space<vmem>>
    %dma_wait3A_193 = arith.constant 0 : i32
    %dma_wait3A_194 = tpu.memref_slice %arg4[%add3A_139, %dma_wait3A_193] : memref<5000x128xf32, #tpu.memory_space<hbm>> -> memref<40x128xf32, #tpu.memory_space<hbm>>
    %dma_wait3A_195 = arith.constant 0 : i32
    %dma_wait3A_196 = tpu.memref_slice %arg4[%add3A_139, %dma_wait3A_195] : memref<5000x128xf32, #tpu.memory_space<hbm>> -> memref<40x128xf32, #tpu.memory_space<hbm>>
    %dma_wait3A_197 = arith.constant 80 : i32
    %dma_wait3A_198 = arith.constant 0 : i32
    %dma_wait3A_199 = tpu.memref_slice %arg6[%dma_wait3A_197, %dma_wait3A_198] : memref<160x128xf32, #tpu.memory_space<vmem>> -> memref<40x128xf32, #tpu.memory_space<vmem>>
    tpu.wait_dma2 semaphore(%arg15 : memref<!tpu.dma_semaphore, #tpu.memory_space<semaphore_mem>>) src(%dma_wait3A_199 : memref<40x128xf32, #tpu.memory_space<vmem>>) dst(%dma_wait3A_196 : memref<40x128xf32, #tpu.memory_space<hbm>>)
    %dma_wait3A_200 = arith.constant 120 : i32
    %dma_wait3A_201 = arith.constant 0 : i32
    %dma_wait3A_202 = tpu.memref_slice %arg6[%dma_wait3A_200, %dma_wait3A_201] : memref<160x128xf32, #tpu.memory_space<vmem>> -> memref<40x128xf32, #tpu.memory_space<vmem>>
    %dma_wait3A_203 = arith.constant 0 : i32
    %dma_wait3A_204 = tpu.memref_slice %arg4[%add3A_159, %dma_wait3A_203] : memref<5000x128xf32, #tpu.memory_space<hbm>> -> memref<40x128xf32, #tpu.memory_space<hbm>>
    %dma_wait3A_205 = arith.constant 0 : i32
    %dma_wait3A_206 = tpu.memref_slice %arg4[%add3A_159, %dma_wait3A_205] : memref<5000x128xf32, #tpu.memory_space<hbm>> -> memref<40x128xf32, #tpu.memory_space<hbm>>
    %dma_wait3A_207 = arith.constant 120 : i32
    %dma_wait3A_208 = arith.constant 0 : i32
    %dma_wait3A_209 = tpu.memref_slice %arg6[%dma_wait3A_207, %dma_wait3A_208] : memref<160x128xf32, #tpu.memory_space<vmem>> -> memref<40x128xf32, #tpu.memory_space<vmem>>
    tpu.wait_dma2 semaphore(%arg15 : memref<!tpu.dma_semaphore, #tpu.memory_space<semaphore_mem>>) src(%dma_wait3A_209 : memref<40x128xf32, #tpu.memory_space<vmem>>) dst(%dma_wait3A_206 : memref<40x128xf32, #tpu.memory_space<hbm>>)
    return
  }
}

</mosaic_0001>

<sc_bundles>
// kernel: kernel.3.cloned.1.call-start
scs
__scs_entry_jumppad:
0x0: {  	(pc) =	sbr.rel $0x88, $3  }
0x1: {  	(tag) =	ssettag $0x0;
	lr =	simm.s32 $0x1  }
0x2: {  	[smem:$0x3F9F] =	sst lr;
	_ =	strace $0xD0000000  }
0x3: {  	_ = 	snop  }
0x4: {  	_ = 	snop  }
0x5: {  	_ = 	snop  }
0x6: {  	_ = 	snop  }
0x7: {  	_ = 	snop  }
__scs_overlays_trampoline_lowered:
0x8: {  	[smem:$0x3FAE] =	sst s0  }
0x9: {  	[smem:$0x3FAF] =	sst s1  }
0xa: {  	[smem:$0x3FB0] =	sst s2  }
0xb: {  	[smem:$0x3FB1] =	sst s3  }
0xc: {  	[smem:$0x3FB2] =	sst s4  }
0xd: {  	[smem:$0x3FB3] =	sst s5  }
0xe: {  	[smem:$0x3FB4] =	sst s6  }
0xf: {  	[smem:$0x3FB5] =	sst s7  }
0x10: {  	[smem:$0x3FB6] =	sst s8  }
0x11: {  	[smem:$0x3FB7] =	sst s9;
	s0 =	simm.s32 @!p0 $0x0  }
0x12: {  	s1 =	sld [smem:$0x3F9D];
	s0 =	simm.s32 @p0 $0x1  }
0x13: {  	[smem:$0x3FB8] =	sst s0;
	s0 =	simm.s32 @!p1 $0x0  }
0x14: {  	s2 =	sld [smem:$0x3F9C];
	s0 =	simm.s32 @p1 $0x1  }
0x15: {  	[smem:$0x3FB9] =	sst s0;
	s0 =	simm.s32 @!p2 $0x0  }
0x16: {  	s3 =	sld [smem:$0x3FDB];
	s0 =	simm.s32 @p2 $0x1  }
0x17: {  	s4 =	simm.s32 $0x1BF5;
	[smem:$0x3FBB] =	sst s0  }
0x18: {  	s0 =	sld [smem:$0x3F9E];
	_ =	swait.ge [sflag:s4], $0x0  }
0x19: {  	s7 =	sld [smem:$0x3F9F]  }
0x1a: {  	s8 =	sadd.s32 $0xFFFFE003, lr  }
0x1b: {  	s9 =	sadd.s32 $0xFFFFFEF7, lr;
	s5 =	simm.s32 $0xFFFFFFFF;
	p2 =	slt.u32 s8, $0xFFFFF086  }
0x1c: {  	p1 =	slt.u32 s9, $0xF7A;
	s5 =	simm.s32 @!p2 $0x0  }
0x1d: {  	s5 =	simm.s32 @p1 $0x1;
	p0 =	seq.s32 s7, s2  }
0x1e: {  	s7 =	smul.u32 @!p0 $0xF7A, s2;
	p2 =	seq.s32 @!p0 s5, $0x0  }
0x1f: {  	s9 =	smul.u32 $0xF7A, s1;
	s8 =	simm.s32 @!p0 $0x1BF5;
	p2 =	por !p2, p0  }
0x20: {  	[sflag:s8] =	ssyncset.s32 @!p0 $0xFFFFF086;
	s6 =	sadd.s32 @!p0 s3, s7;
	s7 =	simm.s32 @!p0 $0x108  }
0x21: {  	s3 =	sadd.s32 s3, s9;
	s6 =	sadd.s32 @!p0 $0x88, s6;
	s7 =	simm.s32 @p2 $0x1082  }
0x22: {  	[simem:s7], [sflag:s8] =	dma.local @!p0 [hbm:s6], $0xF7A  }
0x23: {  	s9 =	sor.u32 $0xD0000000, s2;
	s6 =	simm.s32 $0x108;
	_ =	swait.ge @!p0 [sflag:s8], $0x0  }
0x24: {  	s3 =	sadd.s32 $0x88, s3;
	s6 =	simm.s32 @!p1 $0x1082;
	[sflag:s4] =	ssyncset.s32 $0xFFFFF086  }
0x25: {  	[simem:s6], [sflag:s4] =	dma.local [hbm:s3], $0xF7A  }
0x26: {  	[smem:$0x3F9F] =	sst s1;
	(tag) =	ssettag s2;
	_ =	strace s9  }
0x27: {  	s1 =	sld [smem:$0x3FAF]  }
0x28: {  	s2 =	sld [smem:$0x3FB0]  }
0x29: {  	s4 =	sld [smem:$0x3FB2]  }
0x2a: {  	p0 =	seq.s32 s5, $0x0;
	s5 =	sld [smem:$0x3FB3]  }
0x2b: {  	s6 =	sld [smem:$0x3FB4]  }
0x2c: {  	s7 =	sld [smem:$0x3FB5]  }
0x2d: {  	s3 =	simm.s32 $0x108;
	s8 =	sld [smem:$0x3FB6]  }
0x2e: {  	s3 =	simm.s32 @!p0 $0x1082;
	s9 =	sld [smem:$0x3FB7]  }
0x2f: {  	lr =	sadd.s32 s0, s3;
	s0 =	sld [smem:$0x3FAE]  }
0x30: {  	s3 =	sld [smem:$0x3FB1]  }
0x31: {  	[smem:$0x3FBA] =	sst s10  }
0x32: {  	s10 =	sld [smem:$0x3FB8];
	_ =	sdelay $0x3  }
0x33: {  	p0 =	seq.s32 s10, $0x1;
	s10 =	sld [smem:$0x3FBA];
	_ =	sdelay $0x3  }
0x34: {  	[smem:$0x3FBA] =	sst s10  }
0x35: {  	s10 =	sld [smem:$0x3FB9];
	_ =	sdelay $0x3  }
0x36: {  	p1 =	seq.s32 s10, $0x1;
	s10 =	sld [smem:$0x3FBA];
	_ =	sdelay $0x3  }
0x37: {  	[smem:$0x3FBA] =	sst s10  }
0x38: {  	s10 =	sld [smem:$0x3FBB]  }
0x39: {  	_ = 	snop;
	(pc) =	sbr.ind lr, $3  }
0x3a: {  	_ = 	snop  }
0x3b: {  	_ = 	snop  }
0x3c: {  	p2 =	seq.s32 s10, $0x1;
	s10 =	sld [smem:$0x3FBA]  }
0x3d: {  	_ =	shalt  }
0x3e: {  	_ =	shalt  }
0x3f: {  	_ =	shalt  }
0x40: {  	_ =	shalt  }
0x41: {  	_ =	shalt  }
0x42: {  	_ =	shalt  }
0x43: {  	_ =	shalt  }
0x44: {  	_ =	shalt  }
0x45: {  	_ =	shalt  }
0x46: {  	_ =	shalt  }
0x47: {  	_ =	shalt  }
0x48: {  	_ =	shalt  }
0x49: {  	_ =	shalt  }
0x4a: {  	_ =	shalt  }
0x4b: {  	_ =	shalt  }
0x4c: {  	_ =	shalt  }
0x4d: {  	_ =	shalt  }
0x4e: {  	_ =	shalt  }
0x4f: {  	_ =	shalt  }
0x50: {  	_ =	shalt  }
0x51: {  	_ =	shalt  }
0x52: {  	_ =	shalt  }
0x53: {  	_ =	shalt  }
0x54: {  	_ =	shalt  }
0x55: {  	_ =	shalt  }
0x56: {  	_ =	shalt  }
0x57: {  	_ =	shalt  }
0x58: {  	_ =	shalt  }
0x59: {  	_ =	shalt  }
0x5a: {  	_ =	shalt  }
0x5b: {  	_ =	shalt  }
0x5c: {  	_ =	shalt  }
0x5d: {  	_ =	shalt  }
0x5e: {  	_ =	shalt  }
0x5f: {  	_ =	shalt  }
0x60: {  	_ =	shalt  }
0x61: {  	_ =	shalt  }
0x62: {  	_ =	shalt  }
0x63: {  	_ =	shalt  }
0x64: {  	_ =	shalt  }
0x65: {  	_ =	shalt  }
0x66: {  	_ =	shalt  }
0x67: {  	_ =	shalt  }
0x68: {  	_ =	shalt  }
0x69: {  	_ =	shalt  }
0x6a: {  	_ =	shalt  }
0x6b: {  	_ =	shalt  }
0x6c: {  	_ =	shalt  }
0x6d: {  	_ =	shalt  }
0x6e: {  	_ =	shalt  }
0x6f: {  	_ =	shalt  }
0x70: {  	_ =	shalt  }
0x71: {  	_ =	shalt  }
0x72: {  	_ =	shalt  }
0x73: {  	_ =	shalt  }
0x74: {  	_ =	shalt  }
0x75: {  	_ =	shalt  }
0x76: {  	_ =	shalt  }
0x77: {  	_ =	shalt  }
0x78: {  	_ =	shalt  }
0x79: {  	_ =	shalt  }
0x7a: {  	_ =	shalt  }
0x7b: {  	_ =	shalt  }
0x7c: {  	_ =	shalt  }
0x7d: {  	_ =	shalt  }
0x7e: {  	_ =	shalt  }
0x7f: {  	_ =	shalt  }
0x80: {  	_ =	shalt  }
0x81: {  	_ =	shalt  }
0x82: {  	_ =	shalt  }
0x83: {  	_ =	shalt  }
0x84: {  	_ =	shalt  }
0x85: {  	_ =	shalt  }
0x86: {  	_ =	shalt  }
0x87: {  	_ =	shalt  }
.Lfunc_end0:
.L_simem_size_0:
called_computation_lowered:
.L_overlay_start_0:
0x88: {  	s2 =	sld [smem:$0x3FD9]  }
0x89: {  	s3 =	sld [smem:$0x3FFE];
	_ =	sdelay $0x1  }
0x8a: {  	s1 =	srdreg.scid  }
0x8b: {  	s0 =	sand.u32 $0x1, s1  }
0x8c: {  	s18 =	sshll.u32 s0, $0xA;
	s2 =	sadd.s32 s3, s2  }
0x8d: {  	s2 =	sadd.s32 s2, s18  }
0x8e: {  	[smem:$0x3FC6] =	sst s2  }
0x8f: {  	_ = 	snop  }
0x90: {  	s2 =	sld [smem:$0x3FC9]  }
0x91: {  	s19 =	sld [smem:$0x3FC8]  }
0x92: {  	s4 =	sld [smem:$0x3FD0];
	(tm) =	ssettm $0x1  }
0x93: {  	s5 =	sld [smem:$0x3FFB];
	_ =	sdelay $0x3  }
0x94: {  	_ =	strace s5  }
0x95: {  	s5 =	sld [smem:$0x3FFC];
	_ =	sdelay $0x3  }
0x96: {  	_ =	strace s5  }
0x97: {  	s5 =	sld [smem:$0x3FFD];
	_ =	sdelay $0x3  }
0x98: {  	_ =	strace s5  }
0x99: {  	_ =	strace $0x8FFFFFFF  }
0x9a: {  	s20 =	sld [smem:$0x3FDB];
	_ =	sdelay $0x1  }
0x9b: {  	s6 =	simm.s32 $_scs_section_size  }
0x9c: {  	s7 =	simm.s32 $_size__tile_overlayer_lowered;
	s8 =	simm.s32 $_tile_overlayer_lowered  }
0x9d: {  	s23 =	simm.s32 $0x1BFF;
	s22 =	sshll.u32 s8, $0x1;
	s5 =	sadd.s32 s6, s20  }
0x9e: {  	s9 =	simm.s32 $0x0;
	s21 =	sshll.u32 s7, $0x1;
	s7 =	sadd.s32 s22, s5  }
0x9f: {  	[timem:s9], [sflag:s23] =	dma.local [hbm:s7], s21  }
0xa0: {  	_ =	swait.ge [sflag:s23], s21  }
0xa1: {  	s6 =	ssub.s32 $0x0, s21;
	[sflag:s23] =	ssyncset.done $0x0  }
0xa2: {  	[sflag:s23] =	ssyncadd.s32 s6;
	_ =	sdelay $0x1  }
0xa3: {  	s24 =	simm.s32 $0x1B8B  }
0xa4: {  	_ =	swait.ge [sflag:s24], $0x1  }
0xa5: {  	[sflag:s24] =	ssyncset.done $0x0  }
0xa6: {  	s25 =	simm.s32 $0x1B8E;
	[sflag:s24] =	ssyncadd.s32 $0xFFFFFFFF  }
0xa7: {  	s26 =	simm.s32 $execute0_lowered;
	[smem:$0x3FD2] =	sst s25  }
0xa8: {  	s6 =	sshll.u32 s26, $0x1;
	_ =	strace $0x80000046;
	[dreg:$0x1] =	wrdreg $0xFFFFFFFF  }
0xa9: {  	s28 =	simm.s32 $_size_execute0_lowered;
	s5 =	sadd.s32 s5, s6;
	[dreg:$0x0] =	wrdreg $0x0  }
0xaa: {  	s6 =	sshll.u32 s28, $0x1;
	[dreg:$0x2] =	wrdreg s5  }
0xab: {  	[dreg:$0x3] =	wrdreg s6  }
0xac: {  	[dreg:$0x4] =	wrdreg $0xC0  }
0xad: {  	_ =	task [dreg:s9], $0x5FFFF  }
0xae: {  	[dreg:$0x1] =	wrdreg $0xFFFFFFFF  }
0xaf: {  	[dreg:$0x0] =	wrdreg $0x60  }
0xb0: {  	[dreg:$0x2] =	wrdreg s2  }
0xb1: {  	[dreg:$0x3] =	wrdreg s19  }
0xb2: {  	[dreg:$0x4] =	wrdreg s4  }
0xb3: {  	[dreg:$0x5] =	wrdreg $0x9  }
0xb4: {  	_ =	task.clear_ibuf [dreg:s9], $0x6FFFF;
	_ =	strace $0x90000046  }
0xb5: {  	s29 =	simm.s32 $0x9;
	_ =	strace $0x80000048  }
0xb6: {  	_ =	swait.ge [sflag:s29], $0x1  }
0xb7: {  	[sflag:s29] =	ssyncadd.s32 $0xFFFFFFFF  }
0xb8: {  	_ =	strace $0x90000048  }
0xb9: {  	_ =	sfence  }
0xba: {  	s30 =	sld [smem:$0x0];
	_ =	sdelay $0x2  }
0xbb: {  	s31 =	sshll.u32 s1, $0xD;
	s1 =	sshrl.u32 s1, $0x2  }
0xbc: {  	s3 =	sand.u32 $0x4000, s31;
	s1 =	sadd.s32 s1, s30  }
0xbd: {  	s0 =	sor.u32 s3, s0;
	s1 =	sshll.u32 s1, $0x11  }
0xbe: {  	s0 =	sor.u32 s1, s0  }
0xbf: {  	s0 =	sadd.s32 $0x8F2B, s0  }
0xc0: {  	[sflag:s0] =	ssyncadd.remote.s32 $0x1  }
0xc1: {  	_ =	sfence.sel $0xFFFF  }
0xc2: {  	[dreg:$0x0] =	wrdreg $0xFFFFFFFF;
	(pc) =	sbr.abs _section_cstart, $3  }
0xc3: {  	[dreg:$0x1] =	wrdreg $0xFFFFFFFF  }
0xc4: {  	_ =	task.clear_ibuf [dreg:s9], $0x2FFFF;
	_ =	strace $0x9FFFFFFF  }
0xc5: {  	(tm) =	ssettm $0x7FFFFFFF  }
tec
execute0_lowered:
.L_overlay_start_1:
0x0: {  	(tag) =	ssettag $0x1  }
0x1: {  	s1 =	srdreg.scid;
	s0 =	stileid.u32  }
0x2: {  	s9 =	rddreg [dreg:$0x0];
	s29 =	sand.u32 $0x1, s1;
	s31 =	sshll.u32 s0, $0x1  }
0x3: {  	s2 =	rddreg [dreg:$0x1];
	s1 =	sor.u32 s29, s31  }
0x4: {  	s26 =	rddreg [dreg:$0x2];
	s3 =	simm.s32 $0x0;
	s4 =	smul.u32 $0xA0, s1  }
0x5: {  	[smem:$0x7FF] =	sst s3  }
0x6: {  	s6 =	simm.s32 $0x28;
	s1 =	rddreg [dreg:$0x3];
	s20 =	smin.u32 s4, $0x12E8  }
0x7: {  	_ =	strace $0x80000047;
	s22 =	sadd.s32 $0x28, s20;
	s4 =	sshrl.u32 s20, $0x3  }
0x8: {  	s24 =	sadd.s32 $0x50, s20;
	s5 =	sshrl.u32 s22, $0x3;
	s4 =	sadd.s32 s9, s4  }
0x9: {  	[tilespmem:s3], [sflag:$0x1] =	stream.linear.gather [hbm4b:s4+s3], $0x28, $0x38;
	[tilespmem:$0x5100] =	vst v63  }
0xa: {  	s28 =	sadd.s32 $0x78, s20;
	s7 =	sshrl.u32 s24, $0x3;
	s5 =	sadd.s32 s9, s5  }
0xb: {  	[tilespmem:s6], [sflag:$0x2] =	stream.linear.gather [hbm4b:s5+s3], $0x28, $0x38;
	[tilespmem:$0x5100] =	vst v63  }
0xc: {  	s8 =	simm.s32 $0x50;
	s10 =	sshrl.u32 s28, $0x3;
	s7 =	sadd.s32 s9, s7  }
0xd: {  	[tilespmem:s8], [sflag:$0x3] =	stream.linear.gather [hbm4b:s7+s3], $0x28, $0x38;
	[tilespmem:$0x5100] =	vst v63  }
0xe: {  	s11 =	simm.s32 $0x1;
	s9 =	sadd.s32 s9, s10;
	s10 =	simm.s32 $0x78  }
0xf: {  	[tilespmem:s10], [sflag:$0x4] =	stream.linear.gather [hbm4b:s9+s3], $0x28, $0x38;
	[tilespmem:$0x5100] =	vst v63  }
0x10: {  	_ =	swait.ge [sflag:s11], $0x28  }
0x11: {  	[sflag:s11] =	ssyncset.done $0x0  }
0x12: {  	s12 =	simm.s32 $0x100;
	s13 =	simm.s32 $0x2;
	[sflag:s11] =	ssyncadd.s32 $0xFFFFFFD8  }
0x13: {  	[tilespmem:s12], [sflag:$0x5] =	stream.indirect.gather [hbm4b:s2+s6], $0x80, s3, s6, $0xb8;
	[tilespmem:$0x5100] =	vst v63  }
0x14: {  	_ =	swait.ge [sflag:s13], $0x28  }
0x15: {  	[sflag:s13] =	ssyncset.done $0x0  }
0x16: {  	s14 =	simm.s32 $0x1500;
	s15 =	simm.s32 $0x3;
	[sflag:s13] =	ssyncadd.s32 $0xFFFFFFD8  }
0x17: {  	[tilespmem:s14], [sflag:$0x6] =	stream.indirect.gather [hbm4b:s2+s6], $0x80, s6, s6, $0xb8;
	[tilespmem:$0x5100] =	vst v63  }
0x18: {  	_ =	swait.ge [sflag:s15], $0x28  }
0x19: {  	[sflag:s15] =	ssyncset.done $0x0  }
0x1a: {  	s16 =	simm.s32 $0x2900;
	s17 =	simm.s32 $0x4;
	[sflag:s15] =	ssyncadd.s32 $0xFFFFFFD8  }
0x1b: {  	[tilespmem:s16], [sflag:$0x7] =	stream.indirect.gather [hbm4b:s2+s6], $0x80, s8, s6, $0xb8;
	[tilespmem:$0x5100] =	vst v63  }
0x1c: {  	_ =	swait.ge [sflag:s17], $0x28  }
0x1d: {  	[sflag:s17] =	ssyncset.done $0x0  }
0x1e: {  	s18 =	simm.s32 $0x3D00;
	s19 =	simm.s32 $0x5;
	[sflag:s17] =	ssyncadd.s32 $0xFFFFFFD8  }
0x1f: {  	[tilespmem:s18], [sflag:$0x8] =	stream.indirect.gather [hbm4b:s2+s6], $0x80, s10, s6, $0xb8;
	[tilespmem:$0x5100] =	vst v63  }
0x20: {  	_ =	swait.ge [sflag:s19], $0x1400  }
0x21: {  	s20 =	sshll.u32 s20, $0x4;
	[sflag:s19] =	ssyncset.done $0x0  }
0x22: {  	s21 =	simm.s32 $0x6;
	s20 =	sadd.s32 s26, s20;
	[sflag:s19] =	ssyncadd.s32 $0xFFFFEC00  }
0x23: {  	[hbm4b:s20+s3] =	stream.linear.scatter [tilespmem:s12], [sflag:$0x9], $0x1400, $0x38;
	[tilespmem:$0x5100] =	vst v63  }
0x24: {  	_ =	swait.ge [sflag:s21], $0x1400  }
0x25: {  	s22 =	sshll.u32 s22, $0x4;
	[sflag:s21] =	ssyncset.done $0x0  }
0x26: {  	s23 =	simm.s32 $0x7;
	s22 =	sadd.s32 s26, s22;
	[sflag:s21] =	ssyncadd.s32 $0xFFFFEC00  }
0x27: {  	[hbm4b:s22+s3] =	stream.linear.scatter [tilespmem:s14], [sflag:$0x9], $0x1400, $0x38;
	[tilespmem:$0x5100] =	vst v63  }
0x28: {  	_ =	swait.ge [sflag:s23], $0x1400  }
0x29: {  	s24 =	sshll.u32 s24, $0x4;
	[sflag:s23] =	ssyncset.done $0x0  }
0x2a: {  	s25 =	simm.s32 $0x8;
	s24 =	sadd.s32 s26, s24;
	[sflag:s23] =	ssyncadd.s32 $0xFFFFEC00  }
0x2b: {  	[hbm4b:s24+s3] =	stream.linear.scatter [tilespmem:s16], [sflag:$0x9], $0x1400, $0x38;
	[tilespmem:$0x5100] =	vst v63  }
0x2c: {  	_ =	swait.ge [sflag:s25], $0x1400  }
0x2d: {  	s28 =	sshll.u32 s28, $0x4;
	[sflag:s25] =	ssyncset.done $0x0  }
0x2e: {  	s26 =	sadd.s32 s26, s28;
	s28 =	simm.s32 $0x9;
	[sflag:s25] =	ssyncadd.s32 $0xFFFFEC00  }
0x2f: {  	[hbm4b:s26+s3] =	stream.linear.scatter [tilespmem:s18], [sflag:$0x9], $0x1400, $0x38;
	[tilespmem:$0x5100] =	vst v63  }
0x30: {  	_ =	swait.ge [sflag:s28], $0x1400  }
0x31: {  	s29 =	ssub.s32 $0x2, s29;
	[sflag:s28] =	ssyncset.done $0x0  }
0x32: {  	s30 =	sshrl.u32 s29, $0x1;
	[sflag:s28] =	ssyncadd.s32 $0xFFFFEC00  }
0x33: {  	s29 =	ssub.s32 s29, s30;
	_ =	swait.ge [sflag:s28], $0x1400  }
0x34: {  	s29 =	smax.u32 s29, $0x1;
	[sflag:s28] =	ssyncset.done $0x0  }
0x35: {  	p0 =	sne.s32 s29, $0x1;
	[sflag:s28] =	ssyncadd.s32 $0xFFFFEC00  }
.Ltmp0:
0x36: {  	_ =	swait.ge [sflag:s28], $0x1400;
	(pc) =	sbr.rel @!p0 .LBB2_2-.Ltmp0, $4  }
0x37: {  	[sflag:s28] =	ssyncset.done $0x0  }
0x38: {  	[sflag:s28] =	ssyncadd.s32 $0xFFFFEC00  }
0x39: {  	_ =	swait.ge [sflag:s28], $0x1400  }
0x3a: {  	s29 =	sadd.s32 $0xFFFFFFFF, s29;
	[sflag:s28] =	ssyncset.done $0x0  }
.LBB2_1:
0x3b: {  	p0 =	sne.s32 s29, $0x1;
	s29 =	sadd.s32 $0xFFFFFFFF, s29;
	[sflag:s28] =	ssyncadd.s32 $0xFFFFEC00  }
0x3c: {  	[tilespmem:s3], [sflag:$0x1] =	stream.linear.gather [hbm4b:s4+s3], $0x28, $0x38;
	[tilespmem:$0x5100] =	vst v63  }
0x3d: {  	_ = 	snop  }
0x3e: {  	[tilespmem:s6], [sflag:$0x2] =	stream.linear.gather [hbm4b:s5+s3], $0x28, $0x38;
	[tilespmem:$0x5100] =	vst v63  }
0x3f: {  	_ = 	snop  }
0x40: {  	[tilespmem:s8], [sflag:$0x3] =	stream.linear.gather [hbm4b:s7+s3], $0x28, $0x38;
	[tilespmem:$0x5100] =	vst v63  }
0x41: {  	_ = 	snop  }
0x42: {  	[tilespmem:s10], [sflag:$0x4] =	stream.linear.gather [hbm4b:s9+s3], $0x28, $0x38;
	[tilespmem:$0x5100] =	vst v63  }
0x43: {  	_ =	swait.ge [sflag:s11], $0x28  }
0x44: {  	[sflag:s11] =	ssyncset.done $0x0  }
0x45: {  	[sflag:s11] =	ssyncadd.s32 $0xFFFFFFD8  }
0x46: {  	[tilespmem:s12], [sflag:$0x5] =	stream.indirect.gather [hbm4b:s2+s6], $0x80, s3, s6, $0xb8;
	[tilespmem:$0x5100] =	vst v63  }
0x47: {  	_ =	swait.ge [sflag:s13], $0x28  }
0x48: {  	[sflag:s13] =	ssyncset.done $0x0  }
0x49: {  	[sflag:s13] =	ssyncadd.s32 $0xFFFFFFD8  }
0x4a: {  	[tilespmem:s14], [sflag:$0x6] =	stream.indirect.gather [hbm4b:s2+s6], $0x80, s6, s6, $0xb8;
	[tilespmem:$0x5100] =	vst v63  }
0x4b: {  	_ =	swait.ge [sflag:s15], $0x28  }
0x4c: {  	[sflag:s15] =	ssyncset.done $0x0  }
0x4d: {  	[sflag:s15] =	ssyncadd.s32 $0xFFFFFFD8  }
0x4e: {  	[tilespmem:s16], [sflag:$0x7] =	stream.indirect.gather [hbm4b:s2+s6], $0x80, s8, s6, $0xb8;
	[tilespmem:$0x5100] =	vst v63  }
0x4f: {  	_ =	swait.ge [sflag:s17], $0x28  }
0x50: {  	[sflag:s17] =	ssyncset.done $0x0  }
0x51: {  	[sflag:s17] =	ssyncadd.s32 $0xFFFFFFD8  }
0x52: {  	[tilespmem:s18], [sflag:$0x8] =	stream.indirect.gather [hbm4b:s2+s6], $0x80, s10, s6, $0xb8;
	[tilespmem:$0x5100] =	vst v63  }
0x53: {  	_ =	swait.ge [sflag:s19], $0x1400  }
0x54: {  	[sflag:s19] =	ssyncset.done $0x0  }
0x55: {  	[sflag:s19] =	ssyncadd.s32 $0xFFFFEC00  }
0x56: {  	[hbm4b:s20+s3] =	stream.linear.scatter [tilespmem:s12], [sflag:$0x9], $0x1400, $0x38;
	[tilespmem:$0x5100] =	vst v63  }
0x57: {  	_ =	swait.ge [sflag:s21], $0x1400  }
0x58: {  	[sflag:s21] =	ssyncset.done $0x0  }
0x59: {  	[sflag:s21] =	ssyncadd.s32 $0xFFFFEC00  }
0x5a: {  	[hbm4b:s22+s3] =	stream.linear.scatter [tilespmem:s14], [sflag:$0x9], $0x1400, $0x38;
	[tilespmem:$0x5100] =	vst v63  }
0x5b: {  	_ =	swait.ge [sflag:s23], $0x1400  }
0x5c: {  	[sflag:s23] =	ssyncset.done $0x0  }
0x5d: {  	[sflag:s23] =	ssyncadd.s32 $0xFFFFEC00  }
0x5e: {  	[hbm4b:s24+s3] =	stream.linear.scatter [tilespmem:s16], [sflag:$0x9], $0x1400, $0x38;
	[tilespmem:$0x5100] =	vst v63  }
0x5f: {  	_ =	swait.ge [sflag:s25], $0x1400  }
0x60: {  	[sflag:s25] =	ssyncset.done $0x0  }
0x61: {  	[sflag:s25] =	ssyncadd.s32 $0xFFFFEC00  }
0x62: {  	[hbm4b:s26+s3] =	stream.linear.scatter [tilespmem:s18], [sflag:$0x9], $0x1400, $0x38;
	[tilespmem:$0x5100] =	vst v63  }
0x63: {  	_ =	swait.ge [sflag:s28], $0x1400  }
0x64: {  	[sflag:s28] =	ssyncset.done $0x0  }
0x65: {  	[sflag:s28] =	ssyncadd.s32 $0xFFFFEC00  }
0x66: {  	_ =	swait.ge [sflag:s28], $0x1400  }
0x67: {  	[sflag:s28] =	ssyncset.done $0x0  }
0x68: {  	[sflag:s28] =	ssyncadd.s32 $0xFFFFEC00  }
.Ltmp1:
0x69: {  	_ =	swait.ge [sflag:s28], $0x1400;
	(pc) =	sbr.rel @p0 .LBB2_1-.Ltmp1, $4  }
0x6a: {  	[sflag:s28] =	ssyncset.done $0x0  }
0x6b: {  	[sflag:s28] =	ssyncadd.s32 $0xFFFFEC00  }
0x6c: {  	_ =	swait.ge [sflag:s28], $0x1400  }
0x6d: {  	[sflag:s28] =	ssyncset.done $0x0  }
.LBB2_2:
0x6e: {  	[sflag:s28] =	ssyncadd.s32 $0xFFFFEC00  }
0x6f: {  	_ =	sfence.sel $0x180000  }
0x70: {  	[bflag:$0x0] =	sbarrier.arrive $0xFFFF  }
0x71: {  	p0 =	sne.s32 s0, $0x0;
	_ =	strace $0x90000047  }
0x72: {  	s0 =	sadd.s32 @!p0 $0x100000, s1;
	[bflag:$0x2] =	sbarrier.arrive $0xFFFF  }
0x73: {  	[sflag:s0] =	ssyncadd.tile.s32 @!p0 $0x1;
	_ =	shalt  }
.Lfunc_end2:
_tile_overlayer_lowered:
.L_overlay_start_2:
0x74: {  	(tag) =	ssettag $0x2  }
0x75: {  	s0 =	rddreg [dreg:$0x0];
	s2 =	stileid.u32  }
0x76: {  	s1 =	rddreg [dreg:$0x1];
	p0 =	sne.s32 s2, $0x0  }
0x77: {  	s3 =	rddreg [dreg:$0x2];
	[bflag:$0x3] =	sbarrier.arrive $0xFFFF;
	s2 =	simm.s32 @!p0 $0x1C0A  }
0x78: {  	[timem:s3], [sflag:s2] =	dma.local @!p0 [hbm:s0], s1  }
0x79: {  	s0 =	simm.s32 @!p0 $0xA  }
0x7a: {  	_ =	swait.ge @!p0 [sflag:s0], s1  }
0x7b: {  	s1 =	ssub.s32 @!p0 $0x0, s1;
	[sflag:s0] =	ssyncset.done @!p0 $0x0  }
0x7c: {  	[sflag:s0] =	ssyncadd.s32 @!p0 s1  }
0x7d: {  	[bflag:$0x3] =	sbarrier.arrive $0xFFFF  }
0x7e: {  	_ =	shalt  }

</sc_bundles>
